<compile_context>
chip_gen: v7x
topology: tpu7x:2x2x1
jax: 0.10.2.dev20260603
libtpu: 0.0.44.dev20260713+nightly
codegen_flags: <defaults>
</compile_context>

<pallas_src>
import dataclasses

import jax
import jax.numpy as jnp
from jax.experimental import pallas as pl
from jax.experimental.pallas import tpu as pltpu
from jax.experimental.pallas import tpu_sc as plsc

_NUM_CLASSES = 1000
_SMOOTHING = 0.1
_BATCH = 16384

_NUM_TECS = 32
_ROWS_PER_TEC = _BATCH // _NUM_TECS
_CHUNK_ROWS = 32
_CHUNK = _CHUNK_ROWS * _NUM_CLASSES
_NUM_CHUNKS = _ROWS_PER_TEC // _CHUNK_ROWS

_SV = _SMOOTHING / (_NUM_CLASSES - 1)
_HIT = (1.0 - _SMOOTHING) + _SV


def _fill_bufs(buf0, buf1):
    svv = jnp.full((16,), _SV, jnp.float32)

    @pl.loop(0, _CHUNK, step=64)
    def _(c):
        for buf in (buf0, buf1):
            buf[pl.ds(c, 16)] = svv
            buf[pl.ds(c + 16, 16)] = svv
            buf[pl.ds(c + 32, 16)] = svv
            buf[pl.ds(c + 48, 16)] = svv


def _scatter_chunk(buf, idx_buf, chunk, value):
    val = jnp.full((16,), value, jnp.float32)
    lanes = jax.lax.iota(jnp.int32, 16)
    for g in range(_CHUNK_ROWS // 16):
        rows = lanes + g * 16
        idxv = idx_buf[pl.ds(chunk * _CHUNK_ROWS + g * 16, 16)]
        plsc.store_scatter(buf, [rows * _NUM_CLASSES + idxv], val)


def _body(x_hbm, o_hbm, buf0, buf1, idx_buf, sem0, sem1):
    c = jax.lax.axis_index("c")
    s = jax.lax.axis_index("s")
    tec = c * 16 + s
    row0 = tec * _ROWS_PER_TEC

    pltpu.sync_copy(x_hbm.at[pl.ds(row0, _ROWS_PER_TEC)], idx_buf)
    _fill_bufs(buf0, buf1)

    def out_copy(buf, chunk, sem):
        start = (row0 + chunk * _CHUNK_ROWS) * _NUM_CLASSES
        return pltpu.make_async_copy(buf, o_hbm.at[pl.ds(start, _CHUNK)], sem)

    @pl.loop(0, _NUM_CHUNKS // 2)
    def _(j):
        for buf, sem, chunk in ((buf0, sem0, 2 * j), (buf1, sem1, 2 * j + 1)):
            @pl.when(j > 0)
            def _():
                prev = chunk - 2
                out_copy(buf, prev, sem).wait()
                _scatter_chunk(buf, idx_buf, prev, _SV)

            _scatter_chunk(buf, idx_buf, chunk, _HIT)
            out_copy(buf, chunk, sem).start()

    out_copy(buf0, _NUM_CHUNKS - 2, sem0).wait()
    out_copy(buf1, _NUM_CHUNKS - 1, sem1).wait()


_cp = pltpu.CompilerParams()
if "needs_layout_passes" in pltpu.CompilerParams.__dataclass_fields__:
    _cp = dataclasses.replace(_cp, needs_layout_passes=False)


@jax.jit
def kernel(x_i):
    run = pl.kernel(
        _body,
        compiler_params=_cp,
        out_type=jax.ShapeDtypeStruct((_BATCH * _NUM_CLASSES,), jnp.float32),
        mesh=plsc.VectorSubcoreMesh(core_axis_name="c", subcore_axis_name="s"),
        scratch_types=[
            pltpu.VMEM((_CHUNK,), jnp.float32),
            pltpu.VMEM((_CHUNK,), jnp.float32),
            pltpu.VMEM((_ROWS_PER_TEC,), jnp.int32),
            pltpu.SemaphoreType.DMA,
            pltpu.SemaphoreType.DMA,
        ],
    )
    return run(x_i.astype(jnp.int32)).reshape(_BATCH, _NUM_CLASSES)

# --- scband reference (transcript-rebuilt; emitter-appended) ---
"""Pipeline reference for scband-one-hot-embedding-62723702390893 (READ-ONLY COPY).

The authoritative reference and input builder live on the scoring server;
editing this copy changes nothing except your own understanding.
"""

import jax, jax.numpy as jnp
import numpy as np

NUM_CLASSES = 1000
LABEL_SMOOTHING = 0.1
BATCH = 16384


def setup_inputs(seed: int = 0) -> dict:
    key = jax.random.key(seed)
    x_i = jax.random.randint(key, (BATCH,), 0, NUM_CLASSES)
    return {"x_i": x_i}


def reference(x_i):
    # F.one_hot equivalent
    one_hot_data = jax.nn.one_hot(x_i, NUM_CLASSES, dtype=jnp.float32)
    # apply_label_smoothing (label_smoothing > 0 path)
    smooth_value = LABEL_SMOOTHING / (NUM_CLASSES - 1)
    smoothed_data = one_hot_data * (1.0 - LABEL_SMOOTHING) + smooth_value
    return smoothed_data

if __name__ == "__main__":
    import jax
    _d = setup_inputs()
    print(jax.jit(kernel)(*tuple(_d.values())))

</pallas_src>

<mosaic_0001>
#map = affine_map<(d0, d1) -> (0)>
module attributes {stable_mosaic.version = 14 : i64} {
  func.func @_body(%arg0: i32, %arg1: i32, %arg2: memref<16384xi32, #tpu.memory_space<hbm>>, %arg3: memref<16384000xf32, #tpu.memory_space<hbm>>, %arg4: memref<32000xf32, #tpu.memory_space<vmem>>, %arg5: memref<32000xf32, #tpu.memory_space<vmem>>, %arg6: memref<512xi32, #tpu.memory_space<vmem>>, %arg7: memref<!tpu.dma_semaphore, #tpu.memory_space<semaphore_mem>>, %arg8: memref<!tpu.dma_semaphore, #tpu.memory_space<semaphore_mem>>) attributes {dimension_semantics = [#tpu.dimension_semantics<core_parallel>, #tpu.dimension_semantics<subcore_parallel>], iteration_bounds = array<i64: 2, 16>, scalar_prefetch = 0 : i64, scratch_operands = 5 : i64, tpu.core_type = #tpu.core_type<sc_vector_subcore>, window_params = [{transform_indices = #map}, {transform_indices = #map}]} {
    %mul3A = arith.constant 16 : i32
    %mul3A_0 = arith.muli %arg0, %mul3A : i32
    %add3A = arith.addi %mul3A_0, %arg1 : i32
    %mul3A_1 = arith.constant 512 : i32
    %mul3A_2 = arith.muli %add3A, %mul3A_1 : i32
    "tpu.region"() ({
      %run_scoped3A = tpu.sem_alloc : memref<!tpu.dma_semaphore, #tpu.memory_space<semaphore_mem>>
      %dma_start3A = tpu.memref_slice %arg2[%mul3A_2] : memref<16384xi32, #tpu.memory_space<hbm>> -> memref<512xi32, #tpu.memory_space<hbm>>
      %dma_start3A_24 = tpu.memref_slice %arg2[%mul3A_2] : memref<16384xi32, #tpu.memory_space<hbm>> -> memref<512xi32, #tpu.memory_space<hbm>>
      tpu.enqueue_dma source(%dma_start3A_24 : memref<512xi32, #tpu.memory_space<hbm>>) target(%arg6 : memref<512xi32, #tpu.memory_space<vmem>>) target_semaphore(%run_scoped3A : memref<!tpu.dma_semaphore, #tpu.memory_space<semaphore_mem>>)
      %dma_wait3A_25 = tpu.memref_slice %arg2[%mul3A_2] : memref<16384xi32, #tpu.memory_space<hbm>> -> memref<512xi32, #tpu.memory_space<hbm>>
      %dma_wait3A_26 = tpu.memref_slice %arg2[%mul3A_2] : memref<16384xi32, #tpu.memory_space<hbm>> -> memref<512xi32, #tpu.memory_space<hbm>>
      tpu.wait_dma2 semaphore(%run_scoped3A : memref<!tpu.dma_semaphore, #tpu.memory_space<semaphore_mem>>) src(%dma_wait3A_26 : memref<512xi32, #tpu.memory_space<hbm>>) dst(%arg6 : memref<512xi32, #tpu.memory_space<vmem>>)
      tpu.yield
    }) : () -> ()
    %broadcast_in_dim3A = arith.constant 1.001001E-4 : f32
    %broadcast_in_dim3A_3 = vector.broadcast %broadcast_in_dim3A : f32 to vector<16xf32>
    %scan3A = arith.constant 0 : i32
    %scan3A_4 = arith.constant 500 : i32
    %scan3A_5 = arith.addi %scan3A, %scan3A_4 : i32
    %scan3A_6 = arith.constant 1 : i32
    scf.for %scan3A_24 = %scan3A to %scan3A_5 step %scan3A_6  : i32 {
      %mul3A_25 = arith.constant 64 : i32
      %mul3A_26 = arith.muli %scan3A_24, %mul3A_25 : i32
      %add3A_27 = arith.constant 0 : i32
      %add3A_28 = arith.addi %add3A_27, %mul3A_26 : i32
      %swap3A = arith.index_cast %add3A_28 : i32 to index
      %swap3A_29 = tpu.vector_load %arg4[%swap3A] {strides = array<i32>} : memref<32000xf32, #tpu.memory_space<vmem>>, vector<16xf32>,
      tpu.vector_store %arg4[%swap3A], %broadcast_in_dim3A_3 {strides = array<i32>} : memref<32000xf32, #tpu.memory_space<vmem>>, vector<16xf32>,
      %add3A_30 = arith.constant 16 : i32
      %add3A_31 = arith.addi %add3A_28, %add3A_30 : i32
      %swap3A_32 = arith.index_cast %add3A_31 : i32 to index
      %swap3A_33 = tpu.vector_load %arg4[%swap3A_32] {strides = array<i32>} : memref<32000xf32, #tpu.memory_space<vmem>>, vector<16xf32>,
      tpu.vector_store %arg4[%swap3A_32], %broadcast_in_dim3A_3 {strides = array<i32>} : memref<32000xf32, #tpu.memory_space<vmem>>, vector<16xf32>,
      %add3A_34 = arith.constant 32 : i32
      %add3A_35 = arith.addi %add3A_28, %add3A_34 : i32
      %swap3A_36 = arith.index_cast %add3A_35 : i32 to index
      %swap3A_37 = tpu.vector_load %arg4[%swap3A_36] {strides = array<i32>} : memref<32000xf32, #tpu.memory_space<vmem>>, vector<16xf32>,
      tpu.vector_store %arg4[%swap3A_36], %broadcast_in_dim3A_3 {strides = array<i32>} : memref<32000xf32, #tpu.memory_space<vmem>>, vector<16xf32>,
      %add3A_38 = arith.constant 48 : i32
      %add3A_39 = arith.addi %add3A_28, %add3A_38 : i32
      %swap3A_40 = arith.index_cast %add3A_39 : i32 to index
      %swap3A_41 = tpu.vector_load %arg4[%swap3A_40] {strides = array<i32>} : memref<32000xf32, #tpu.memory_space<vmem>>, vector<16xf32>,
      tpu.vector_store %arg4[%swap3A_40], %broadcast_in_dim3A_3 {strides = array<i32>} : memref<32000xf32, #tpu.memory_space<vmem>>, vector<16xf32>,
      %swap3A_42 = arith.index_cast %add3A_28 : i32 to index
      %swap3A_43 = tpu.vector_load %arg5[%swap3A_42] {strides = array<i32>} : memref<32000xf32, #tpu.memory_space<vmem>>, vector<16xf32>,
      tpu.vector_store %arg5[%swap3A_42], %broadcast_in_dim3A_3 {strides = array<i32>} : memref<32000xf32, #tpu.memory_space<vmem>>, vector<16xf32>,
      %add3A_44 = arith.constant 16 : i32
      %add3A_45 = arith.addi %add3A_28, %add3A_44 : i32
      %swap3A_46 = arith.index_cast %add3A_45 : i32 to index
      %swap3A_47 = tpu.vector_load %arg5[%swap3A_46] {strides = array<i32>} : memref<32000xf32, #tpu.memory_space<vmem>>, vector<16xf32>,
      tpu.vector_store %arg5[%swap3A_46], %broadcast_in_dim3A_3 {strides = array<i32>} : memref<32000xf32, #tpu.memory_space<vmem>>, vector<16xf32>,
      %add3A_48 = arith.constant 32 : i32
      %add3A_49 = arith.addi %add3A_28, %add3A_48 : i32
      %swap3A_50 = arith.index_cast %add3A_49 : i32 to index
      %swap3A_51 = tpu.vector_load %arg5[%swap3A_50] {strides = array<i32>} : memref<32000xf32, #tpu.memory_space<vmem>>, vector<16xf32>,
      tpu.vector_store %arg5[%swap3A_50], %broadcast_in_dim3A_3 {strides = array<i32>} : memref<32000xf32, #tpu.memory_space<vmem>>, vector<16xf32>,
      %add3A_52 = arith.constant 48 : i32
      %add3A_53 = arith.addi %add3A_28, %add3A_52 : i32
      %swap3A_54 = arith.index_cast %add3A_53 : i32 to index
      %swap3A_55 = tpu.vector_load %arg5[%swap3A_54] {strides = array<i32>} : memref<32000xf32, #tpu.memory_space<vmem>>, vector<16xf32>,
      tpu.vector_store %arg5[%swap3A_54], %broadcast_in_dim3A_3 {strides = array<i32>} : memref<32000xf32, #tpu.memory_space<vmem>>, vector<16xf32>,
    }
    %scan3A_7 = arith.constant 500 : i32
    %scan3A_8 = arith.constant 0 : i32
    %scan3A_9 = arith.constant 8 : i32
    %scan3A_10 = arith.addi %scan3A_8, %scan3A_9 : i32
    %scan3A_11 = arith.constant 1 : i32
    scf.for %scan3A_24 = %scan3A_8 to %scan3A_10 step %scan3A_11  : i32 {
      %mul3A_25 = arith.constant 1 : i32
      %mul3A_26 = arith.muli %scan3A_24, %mul3A_25 : i32
      %add3A_27 = arith.constant 0 : i32
      %add3A_28 = arith.addi %add3A_27, %mul3A_26 : i32
      %mul3A_29 = arith.constant 2 : i32
      %mul3A_30 = arith.muli %mul3A_29, %add3A_28 : i32
      %mul3A_31 = arith.constant 2 : i32
      %mul3A_32 = arith.muli %mul3A_31, %add3A_28 : i32
      %add3A_33 = arith.constant 1 : i32
      %add3A_34 = arith.addi %mul3A_32, %add3A_33 : i32
      %gt3A = arith.constant 0 : i32
      %gt3A_35 = arith.cmpi sgt, %add3A_28, %gt3A : i32
      %convert_element_type3A = arith.extui %gt3A_35 : i1 to i32
      %cond3A = arith.constant 0 : i32
      %cond3A_36 = arith.cmpi ne, %convert_element_type3A, %cond3A : i32
      scf.if %cond3A_36 {
        %sub3A = arith.constant 2 : i32
        %sub3A_111 = arith.subi %mul3A_30, %sub3A : i32
        %mul3A_112 = arith.constant 32 : i32
        %mul3A_113 = arith.muli %sub3A_111, %mul3A_112 : i32
        %add3A_114 = arith.addi %mul3A_2, %mul3A_113 : i32
        %mul3A_115 = arith.constant 1000 : i32
        %mul3A_116 = arith.muli %add3A_114, %mul3A_115 : i32
        %dma_wait3A_117 = tpu.memref_slice %arg3[%mul3A_116] : memref<16384000xf32, #tpu.memory_space<hbm>> -> memref<32000xf32, #tpu.memory_space<hbm>>
        %dma_wait3A_118 = tpu.memref_slice %arg3[%mul3A_116] : memref<16384000xf32, #tpu.memory_space<hbm>> -> memref<32000xf32, #tpu.memory_space<hbm>>
        tpu.wait_dma2 semaphore(%arg7 : memref<!tpu.dma_semaphore, #tpu.memory_space<semaphore_mem>>) src(%arg4 : memref<32000xf32, #tpu.memory_space<vmem>>) dst(%dma_wait3A_118 : memref<32000xf32, #tpu.memory_space<hbm>>)
        %broadcast_in_dim3A_119 = arith.constant 1.001001E-4 : f32
        %broadcast_in_dim3A_120 = vector.broadcast %broadcast_in_dim3A_119 : f32 to vector<16xf32>
        %iota3A_121 = tpu.iota {dimensions = array<i32: 0>} : vector<16xi32>
        %add3A_122 = arith.constant 0 : i32
        %add3A_123 = vector.broadcast %add3A_122 : i32 to vector<16xi32>
        %add3A_124 = arith.addi %iota3A_121, %add3A_123 : vector<16xi32>
        %mul3A_125 = arith.constant 32 : i32
        %mul3A_126 = arith.muli %sub3A_111, %mul3A_125 : i32
        %add3A_127 = arith.constant 0 : i32
        %add3A_128 = arith.addi %mul3A_126, %add3A_127 : i32
        %get3A_129 = arith.index_cast %add3A_128 : i32 to index
        %get3A_130 = tpu.vector_load %arg6[%get3A_129] {strides = array<i32>} : memref<512xi32, #tpu.memory_space<vmem>>, vector<16xi32>,
        %mul3A_131 = arith.constant 1000 : i32
        %mul3A_132 = vector.broadcast %mul3A_131 : i32 to vector<16xi32>
        %mul3A_133 = arith.muli %add3A_124, %mul3A_132 : vector<16xi32>
        %add3A_134 = arith.addi %mul3A_133, %get3A_130 : vector<16xi32>
        tpu.vector_store_idx %arg4[%add3A_134], %broadcast_in_dim3A_120 : memref<32000xf32, #tpu.memory_space<vmem>>[vector<16xi32>], vector<16xf32>,
        %add3A_135 = arith.constant 16 : i32
        %add3A_136 = vector.broadcast %add3A_135 : i32 to vector<16xi32>
        %add3A_137 = arith.addi %iota3A_121, %add3A_136 : vector<16xi32>
        %mul3A_138 = arith.constant 32 : i32
        %mul3A_139 = arith.muli %sub3A_111, %mul3A_138 : i32
        %add3A_140 = arith.constant 16 : i32
        %add3A_141 = arith.addi %mul3A_139, %add3A_140 : i32
        %get3A_142 = arith.index_cast %add3A_141 : i32 to index
        %get3A_143 = tpu.vector_load %arg6[%get3A_142] {strides = array<i32>} : memref<512xi32, #tpu.memory_space<vmem>>, vector<16xi32>,
        %mul3A_144 = arith.constant 1000 : i32
        %mul3A_145 = vector.broadcast %mul3A_144 : i32 to vector<16xi32>
        %mul3A_146 = arith.muli %add3A_137, %mul3A_145 : vector<16xi32>
        %add3A_147 = arith.addi %mul3A_146, %get3A_143 : vector<16xi32>
        tpu.vector_store_idx %arg4[%add3A_147], %broadcast_in_dim3A_120 : memref<32000xf32, #tpu.memory_space<vmem>>[vector<16xi32>], vector<16xf32>,
      } else {
      }
      %broadcast_in_dim3A_37 = arith.constant 0.900100111 : f32
      %broadcast_in_dim3A_38 = vector.broadcast %broadcast_in_dim3A_37 : f32 to vector<16xf32>
      %iota3A = tpu.iota {dimensions = array<i32: 0>} : vector<16xi32>
      %add3A_39 = arith.constant 0 : i32
      %add3A_40 = vector.broadcast %add3A_39 : i32 to vector<16xi32>
      %add3A_41 = arith.addi %iota3A, %add3A_40 : vector<16xi32>
      %mul3A_42 = arith.constant 32 : i32
      %mul3A_43 = arith.muli %mul3A_30, %mul3A_42 : i32
      %add3A_44 = arith.constant 0 : i32
      %add3A_45 = arith.addi %mul3A_43, %add3A_44 : i32
      %get3A = arith.index_cast %add3A_45 : i32 to index
      %get3A_46 = tpu.vector_load %arg6[%get3A] {strides = array<i32>} : memref<512xi32, #tpu.memory_space<vmem>>, vector<16xi32>,
      %mul3A_47 = arith.constant 1000 : i32
      %mul3A_48 = vector.broadcast %mul3A_47 : i32 to vector<16xi32>
      %mul3A_49 = arith.muli %add3A_41, %mul3A_48 : vector<16xi32>
      %add3A_50 = arith.addi %mul3A_49, %get3A_46 : vector<16xi32>
      tpu.vector_store_idx %arg4[%add3A_50], %broadcast_in_dim3A_38 : memref<32000xf32, #tpu.memory_space<vmem>>[vector<16xi32>], vector<16xf32>,
      %add3A_51 = arith.constant 16 : i32
      %add3A_52 = vector.broadcast %add3A_51 : i32 to vector<16xi32>
      %add3A_53 = arith.addi %iota3A, %add3A_52 : vector<16xi32>
      %mul3A_54 = arith.constant 32 : i32
      %mul3A_55 = arith.muli %mul3A_30, %mul3A_54 : i32
      %add3A_56 = arith.constant 16 : i32
      %add3A_57 = arith.addi %mul3A_55, %add3A_56 : i32
      %get3A_58 = arith.index_cast %add3A_57 : i32 to index
      %get3A_59 = tpu.vector_load %arg6[%get3A_58] {strides = array<i32>} : memref<512xi32, #tpu.memory_space<vmem>>, vector<16xi32>,
      %mul3A_60 = arith.constant 1000 : i32
      %mul3A_61 = vector.broadcast %mul3A_60 : i32 to vector<16xi32>
      %mul3A_62 = arith.muli %add3A_53, %mul3A_61 : vector<16xi32>
      %add3A_63 = arith.addi %mul3A_62, %get3A_59 : vector<16xi32>
      tpu.vector_store_idx %arg4[%add3A_63], %broadcast_in_dim3A_38 : memref<32000xf32, #tpu.memory_space<vmem>>[vector<16xi32>], vector<16xf32>,
      %mul3A_64 = arith.constant 32 : i32
      %mul3A_65 = arith.muli %mul3A_30, %mul3A_64 : i32
      %add3A_66 = arith.addi %mul3A_2, %mul3A_65 : i32
      %mul3A_67 = arith.constant 1000 : i32
      %mul3A_68 = arith.muli %add3A_66, %mul3A_67 : i32
      %dma_start3A = tpu.memref_slice %arg3[%mul3A_68] : memref<16384000xf32, #tpu.memory_space<hbm>> -> memref<32000xf32, #tpu.memory_space<hbm>>
      %dma_start3A_69 = tpu.memref_slice %arg3[%mul3A_68] : memref<16384000xf32, #tpu.memory_space<hbm>> -> memref<32000xf32, #tpu.memory_space<hbm>>
      tpu.enqueue_dma source(%arg4 : memref<32000xf32, #tpu.memory_space<vmem>>) target(%dma_start3A_69 : memref<32000xf32, #tpu.memory_space<hbm>>) target_semaphore(%arg7 : memref<!tpu.dma_semaphore, #tpu.memory_space<semaphore_mem>>)
      %gt3A_70 = arith.constant 0 : i32
      %gt3A_71 = arith.cmpi sgt, %add3A_28, %gt3A_70 : i32
      %convert_element_type3A_72 = arith.extui %gt3A_71 : i1 to i32
      %cond3A_73 = arith.constant 0 : i32
      %cond3A_74 = arith.cmpi ne, %convert_element_type3A_72, %cond3A_73 : i32
      scf.if %cond3A_74 {
        %sub3A = arith.constant 2 : i32
        %sub3A_111 = arith.subi %add3A_34, %sub3A : i32
        %mul3A_112 = arith.constant 32 : i32
        %mul3A_113 = arith.muli %sub3A_111, %mul3A_112 : i32
        %add3A_114 = arith.addi %mul3A_2, %mul3A_113 : i32
        %mul3A_115 = arith.constant 1000 : i32
        %mul3A_116 = arith.muli %add3A_114, %mul3A_115 : i32
        %dma_wait3A_117 = tpu.memref_slice %arg3[%mul3A_116] : memref<16384000xf32, #tpu.memory_space<hbm>> -> memref<32000xf32, #tpu.memory_space<hbm>>
        %dma_wait3A_118 = tpu.memref_slice %arg3[%mul3A_116] : memref<16384000xf32, #tpu.memory_space<hbm>> -> memref<32000xf32, #tpu.memory_space<hbm>>
        tpu.wait_dma2 semaphore(%arg8 : memref<!tpu.dma_semaphore, #tpu.memory_space<semaphore_mem>>) src(%arg5 : memref<32000xf32, #tpu.memory_space<vmem>>) dst(%dma_wait3A_118 : memref<32000xf32, #tpu.memory_space<hbm>>)
        %broadcast_in_dim3A_119 = arith.constant 1.001001E-4 : f32
        %broadcast_in_dim3A_120 = vector.broadcast %broadcast_in_dim3A_119 : f32 to vector<16xf32>
        %iota3A_121 = tpu.iota {dimensions = array<i32: 0>} : vector<16xi32>
        %add3A_122 = arith.constant 0 : i32
        %add3A_123 = vector.broadcast %add3A_122 : i32 to vector<16xi32>
        %add3A_124 = arith.addi %iota3A_121, %add3A_123 : vector<16xi32>
        %mul3A_125 = arith.constant 32 : i32
        %mul3A_126 = arith.muli %sub3A_111, %mul3A_125 : i32
        %add3A_127 = arith.constant 0 : i32
        %add3A_128 = arith.addi %mul3A_126, %add3A_127 : i32
        %get3A_129 = arith.index_cast %add3A_128 : i32 to index
        %get3A_130 = tpu.vector_load %arg6[%get3A_129] {strides = array<i32>} : memref<512xi32, #tpu.memory_space<vmem>>, vector<16xi32>,
        %mul3A_131 = arith.constant 1000 : i32
        %mul3A_132 = vector.broadcast %mul3A_131 : i32 to vector<16xi32>
        %mul3A_133 = arith.muli %add3A_124, %mul3A_132 : vector<16xi32>
        %add3A_134 = arith.addi %mul3A_133, %get3A_130 : vector<16xi32>
        tpu.vector_store_idx %arg5[%add3A_134], %broadcast_in_dim3A_120 : memref<32000xf32, #tpu.memory_space<vmem>>[vector<16xi32>], vector<16xf32>,
        %add3A_135 = arith.constant 16 : i32
        %add3A_136 = vector.broadcast %add3A_135 : i32 to vector<16xi32>
        %add3A_137 = arith.addi %iota3A_121, %add3A_136 : vector<16xi32>
        %mul3A_138 = arith.constant 32 : i32
        %mul3A_139 = arith.muli %sub3A_111, %mul3A_138 : i32
        %add3A_140 = arith.constant 16 : i32
        %add3A_141 = arith.addi %mul3A_139, %add3A_140 : i32
        %get3A_142 = arith.index_cast %add3A_141 : i32 to index
        %get3A_143 = tpu.vector_load %arg6[%get3A_142] {strides = array<i32>} : memref<512xi32, #tpu.memory_space<vmem>>, vector<16xi32>,
        %mul3A_144 = arith.constant 1000 : i32
        %mul3A_145 = vector.broadcast %mul3A_144 : i32 to vector<16xi32>
        %mul3A_146 = arith.muli %add3A_137, %mul3A_145 : vector<16xi32>
        %add3A_147 = arith.addi %mul3A_146, %get3A_143 : vector<16xi32>
        tpu.vector_store_idx %arg5[%add3A_147], %broadcast_in_dim3A_120 : memref<32000xf32, #tpu.memory_space<vmem>>[vector<16xi32>], vector<16xf32>,
      } else {
      }
      %broadcast_in_dim3A_75 = arith.constant 0.900100111 : f32
      %broadcast_in_dim3A_76 = vector.broadcast %broadcast_in_dim3A_75 : f32 to vector<16xf32>
      %iota3A_77 = tpu.iota {dimensions = array<i32: 0>} : vector<16xi32>
      %add3A_78 = arith.constant 0 : i32
      %add3A_79 = vector.broadcast %add3A_78 : i32 to vector<16xi32>
      %add3A_80 = arith.addi %iota3A_77, %add3A_79 : vector<16xi32>
      %mul3A_81 = arith.constant 32 : i32
      %mul3A_82 = arith.muli %add3A_34, %mul3A_81 : i32
      %add3A_83 = arith.constant 0 : i32
      %add3A_84 = arith.addi %mul3A_82, %add3A_83 : i32
      %get3A_85 = arith.index_cast %add3A_84 : i32 to index
      %get3A_86 = tpu.vector_load %arg6[%get3A_85] {strides = array<i32>} : memref<512xi32, #tpu.memory_space<vmem>>, vector<16xi32>,
      %mul3A_87 = arith.constant 1000 : i32
      %mul3A_88 = vector.broadcast %mul3A_87 : i32 to vector<16xi32>
      %mul3A_89 = arith.muli %add3A_80, %mul3A_88 : vector<16xi32>
      %add3A_90 = arith.addi %mul3A_89, %get3A_86 : vector<16xi32>
      tpu.vector_store_idx %arg5[%add3A_90], %broadcast_in_dim3A_76 : memref<32000xf32, #tpu.memory_space<vmem>>[vector<16xi32>], vector<16xf32>,
      %add3A_91 = arith.constant 16 : i32
      %add3A_92 = vector.broadcast %add3A_91 : i32 to vector<16xi32>
      %add3A_93 = arith.addi %iota3A_77, %add3A_92 : vector<16xi32>
      %mul3A_94 = arith.constant 32 : i32
      %mul3A_95 = arith.muli %add3A_34, %mul3A_94 : i32
      %add3A_96 = arith.constant 16 : i32
      %add3A_97 = arith.addi %mul3A_95, %add3A_96 : i32
      %get3A_98 = arith.index_cast %add3A_97 : i32 to index
      %get3A_99 = tpu.vector_load %arg6[%get3A_98] {strides = array<i32>} : memref<512xi32, #tpu.memory_space<vmem>>, vector<16xi32>,
      %mul3A_100 = arith.constant 1000 : i32
      %mul3A_101 = vector.broadcast %mul3A_100 : i32 to vector<16xi32>
      %mul3A_102 = arith.muli %add3A_93, %mul3A_101 : vector<16xi32>
      %add3A_103 = arith.addi %mul3A_102, %get3A_99 : vector<16xi32>
      tpu.vector_store_idx %arg5[%add3A_103], %broadcast_in_dim3A_76 : memref<32000xf32, #tpu.memory_space<vmem>>[vector<16xi32>], vector<16xf32>,
      %mul3A_104 = arith.constant 32 : i32
      %mul3A_105 = arith.muli %add3A_34, %mul3A_104 : i32
      %add3A_106 = arith.addi %mul3A_2, %mul3A_105 : i32
      %mul3A_107 = arith.constant 1000 : i32
      %mul3A_108 = arith.muli %add3A_106, %mul3A_107 : i32
      %dma_start3A_109 = tpu.memref_slice %arg3[%mul3A_108] : memref<16384000xf32, #tpu.memory_space<hbm>> -> memref<32000xf32, #tpu.memory_space<hbm>>
      %dma_start3A_110 = tpu.memref_slice %arg3[%mul3A_108] : memref<16384000xf32, #tpu.memory_space<hbm>> -> memref<32000xf32, #tpu.memory_space<hbm>>
      tpu.enqueue_dma source(%arg5 : memref<32000xf32, #tpu.memory_space<vmem>>) target(%dma_start3A_110 : memref<32000xf32, #tpu.memory_space<hbm>>) target_semaphore(%arg8 : memref<!tpu.dma_semaphore, #tpu.memory_space<semaphore_mem>>)
    }
    %scan3A_12 = arith.constant 8 : i32
    %add3A_13 = arith.constant 448 : i32
    %add3A_14 = arith.addi %mul3A_2, %add3A_13 : i32
    %mul3A_15 = arith.constant 1000 : i32
    %mul3A_16 = arith.muli %add3A_14, %mul3A_15 : i32
    %dma_wait3A = tpu.memref_slice %arg3[%mul3A_16] : memref<16384000xf32, #tpu.memory_space<hbm>> -> memref<32000xf32, #tpu.memory_space<hbm>>
    %dma_wait3A_17 = tpu.memref_slice %arg3[%mul3A_16] : memref<16384000xf32, #tpu.memory_space<hbm>> -> memref<32000xf32, #tpu.memory_space<hbm>>
    tpu.wait_dma2 semaphore(%arg7 : memref<!tpu.dma_semaphore, #tpu.memory_space<semaphore_mem>>) src(%arg4 : memref<32000xf32, #tpu.memory_space<vmem>>) dst(%dma_wait3A_17 : memref<32000xf32, #tpu.memory_space<hbm>>)
    %add3A_18 = arith.constant 480 : i32
    %add3A_19 = arith.addi %mul3A_2, %add3A_18 : i32
    %mul3A_20 = arith.constant 1000 : i32
    %mul3A_21 = arith.muli %add3A_19, %mul3A_20 : i32
    %dma_wait3A_22 = tpu.memref_slice %arg3[%mul3A_21] : memref<16384000xf32, #tpu.memory_space<hbm>> -> memref<32000xf32, #tpu.memory_space<hbm>>
    %dma_wait3A_23 = tpu.memref_slice %arg3[%mul3A_21] : memref<16384000xf32, #tpu.memory_space<hbm>> -> memref<32000xf32, #tpu.memory_space<hbm>>
    tpu.wait_dma2 semaphore(%arg8 : memref<!tpu.dma_semaphore, #tpu.memory_space<semaphore_mem>>) src(%arg5 : memref<32000xf32, #tpu.memory_space<vmem>>) dst(%dma_wait3A_23 : memref<32000xf32, #tpu.memory_space<hbm>>)
    return
  }
}

</mosaic_0001>

<sc_bundles>
// kernel: kernel.3.cloned.1.call-start
scs
__scs_entry_jumppad:
0x0: {  	(pc) =	sbr.rel $0x88, $3  }
0x1: {  	(tag) =	ssettag $0x0;
	lr =	simm.s32 $0x1  }
0x2: {  	[smem:$0x3FA0] =	sst lr;
	_ =	strace $0xD0000000  }
0x3: {  	_ = 	snop  }
0x4: {  	_ = 	snop  }
0x5: {  	_ = 	snop  }
0x6: {  	_ = 	snop  }
0x7: {  	_ = 	snop  }
__scs_overlays_trampoline_lowered:
0x8: {  	[smem:$0x3FAF] =	sst s0  }
0x9: {  	[smem:$0x3FB0] =	sst s1  }
0xa: {  	[smem:$0x3FB1] =	sst s2  }
0xb: {  	[smem:$0x3FB2] =	sst s3  }
0xc: {  	[smem:$0x3FB3] =	sst s4  }
0xd: {  	[smem:$0x3FB4] =	sst s5  }
0xe: {  	[smem:$0x3FB5] =	sst s6  }
0xf: {  	[smem:$0x3FB6] =	sst s7  }
0x10: {  	[smem:$0x3FB7] =	sst s8  }
0x11: {  	[smem:$0x3FB8] =	sst s9;
	s0 =	simm.s32 @!p0 $0x0  }
0x12: {  	s1 =	sld [smem:$0x3F9E];
	s0 =	simm.s32 @p0 $0x1  }
0x13: {  	[smem:$0x3FB9] =	sst s0;
	s0 =	simm.s32 @!p1 $0x0  }
0x14: {  	s2 =	sld [smem:$0x3F9D];
	s0 =	simm.s32 @p1 $0x1  }
0x15: {  	[smem:$0x3FBA] =	sst s0;
	s0 =	simm.s32 @!p2 $0x0  }
0x16: {  	s3 =	sld [smem:$0x3FDB];
	s0 =	simm.s32 @p2 $0x1  }
0x17: {  	s4 =	simm.s32 $0x1BF5;
	[smem:$0x3FBC] =	sst s0  }
0x18: {  	s0 =	sld [smem:$0x3F9F];
	_ =	swait.ge [sflag:s4], $0x0  }
0x19: {  	s7 =	sld [smem:$0x3FA0]  }
0x1a: {  	s8 =	sadd.s32 $0xFFFFE003, lr  }
0x1b: {  	s9 =	sadd.s32 $0xFFFFFEF7, lr;
	s5 =	simm.s32 $0xFFFFFFFF;
	p2 =	slt.u32 s8, $0xFFFFF086  }
0x1c: {  	p1 =	slt.u32 s9, $0xF7A;
	s5 =	simm.s32 @!p2 $0x0  }
0x1d: {  	s5 =	simm.s32 @p1 $0x1;
	p0 =	seq.s32 s7, s2  }
0x1e: {  	s7 =	smul.u32 @!p0 $0xF7A, s2;
	p2 =	seq.s32 @!p0 s5, $0x0  }
0x1f: {  	s9 =	smul.u32 $0xF7A, s1;
	s8 =	simm.s32 @!p0 $0x1BF5;
	p2 =	por !p2, p0  }
0x20: {  	[sflag:s8] =	ssyncset.s32 @!p0 $0xFFFFF086;
	s6 =	sadd.s32 @!p0 s3, s7;
	s7 =	simm.s32 @!p0 $0x108  }
0x21: {  	s3 =	sadd.s32 s3, s9;
	s6 =	sadd.s32 @!p0 $0x88, s6;
	s7 =	simm.s32 @p2 $0x1082  }
0x22: {  	[simem:s7], [sflag:s8] =	dma.local @!p0 [hbm:s6], $0xF7A  }
0x23: {  	s9 =	sor.u32 $0xD0000000, s2;
	s6 =	simm.s32 $0x108;
	_ =	swait.ge @!p0 [sflag:s8], $0x0  }
0x24: {  	s3 =	sadd.s32 $0x88, s3;
	s6 =	simm.s32 @!p1 $0x1082;
	[sflag:s4] =	ssyncset.s32 $0xFFFFF086  }
0x25: {  	[simem:s6], [sflag:s4] =	dma.local [hbm:s3], $0xF7A  }
0x26: {  	[smem:$0x3FA0] =	sst s1;
	(tag) =	ssettag s2;
	_ =	strace s9  }
0x27: {  	s1 =	sld [smem:$0x3FB0]  }
0x28: {  	s2 =	sld [smem:$0x3FB1]  }
0x29: {  	s4 =	sld [smem:$0x3FB3]  }
0x2a: {  	p0 =	seq.s32 s5, $0x0;
	s5 =	sld [smem:$0x3FB4]  }
0x2b: {  	s6 =	sld [smem:$0x3FB5]  }
0x2c: {  	s7 =	sld [smem:$0x3FB6]  }
0x2d: {  	s3 =	simm.s32 $0x108;
	s8 =	sld [smem:$0x3FB7]  }
0x2e: {  	s3 =	simm.s32 @!p0 $0x1082;
	s9 =	sld [smem:$0x3FB8]  }
0x2f: {  	lr =	sadd.s32 s0, s3;
	s0 =	sld [smem:$0x3FAF]  }
0x30: {  	s3 =	sld [smem:$0x3FB2]  }
0x31: {  	[smem:$0x3FBB] =	sst s10  }
0x32: {  	s10 =	sld [smem:$0x3FB9];
	_ =	sdelay $0x3  }
0x33: {  	p0 =	seq.s32 s10, $0x1;
	s10 =	sld [smem:$0x3FBB];
	_ =	sdelay $0x3  }
0x34: {  	[smem:$0x3FBB] =	sst s10  }
0x35: {  	s10 =	sld [smem:$0x3FBA];
	_ =	sdelay $0x3  }
0x36: {  	p1 =	seq.s32 s10, $0x1;
	s10 =	sld [smem:$0x3FBB];
	_ =	sdelay $0x3  }
0x37: {  	[smem:$0x3FBB] =	sst s10  }
0x38: {  	s10 =	sld [smem:$0x3FBC]  }
0x39: {  	_ = 	snop;
	(pc) =	sbr.ind lr, $3  }
0x3a: {  	_ = 	snop  }
0x3b: {  	_ = 	snop  }
0x3c: {  	p2 =	seq.s32 s10, $0x1;
	s10 =	sld [smem:$0x3FBB]  }
0x3d: {  	_ =	shalt  }
0x3e: {  	_ =	shalt  }
0x3f: {  	_ =	shalt  }
0x40: {  	_ =	shalt  }
0x41: {  	_ =	shalt  }
0x42: {  	_ =	shalt  }
0x43: {  	_ =	shalt  }
0x44: {  	_ =	shalt  }
0x45: {  	_ =	shalt  }
0x46: {  	_ =	shalt  }
0x47: {  	_ =	shalt  }
0x48: {  	_ =	shalt  }
0x49: {  	_ =	shalt  }
0x4a: {  	_ =	shalt  }
0x4b: {  	_ =	shalt  }
0x4c: {  	_ =	shalt  }
0x4d: {  	_ =	shalt  }
0x4e: {  	_ =	shalt  }
0x4f: {  	_ =	shalt  }
0x50: {  	_ =	shalt  }
0x51: {  	_ =	shalt  }
0x52: {  	_ =	shalt  }
0x53: {  	_ =	shalt  }
0x54: {  	_ =	shalt  }
0x55: {  	_ =	shalt  }
0x56: {  	_ =	shalt  }
0x57: {  	_ =	shalt  }
0x58: {  	_ =	shalt  }
0x59: {  	_ =	shalt  }
0x5a: {  	_ =	shalt  }
0x5b: {  	_ =	shalt  }
0x5c: {  	_ =	shalt  }
0x5d: {  	_ =	shalt  }
0x5e: {  	_ =	shalt  }
0x5f: {  	_ =	shalt  }
0x60: {  	_ =	shalt  }
0x61: {  	_ =	shalt  }
0x62: {  	_ =	shalt  }
0x63: {  	_ =	shalt  }
0x64: {  	_ =	shalt  }
0x65: {  	_ =	shalt  }
0x66: {  	_ =	shalt  }
0x67: {  	_ =	shalt  }
0x68: {  	_ =	shalt  }
0x69: {  	_ =	shalt  }
0x6a: {  	_ =	shalt  }
0x6b: {  	_ =	shalt  }
0x6c: {  	_ =	shalt  }
0x6d: {  	_ =	shalt  }
0x6e: {  	_ =	shalt  }
0x6f: {  	_ =	shalt  }
0x70: {  	_ =	shalt  }
0x71: {  	_ =	shalt  }
0x72: {  	_ =	shalt  }
0x73: {  	_ =	shalt  }
0x74: {  	_ =	shalt  }
0x75: {  	_ =	shalt  }
0x76: {  	_ =	shalt  }
0x77: {  	_ =	shalt  }
0x78: {  	_ =	shalt  }
0x79: {  	_ =	shalt  }
0x7a: {  	_ =	shalt  }
0x7b: {  	_ =	shalt  }
0x7c: {  	_ =	shalt  }
0x7d: {  	_ =	shalt  }
0x7e: {  	_ =	shalt  }
0x7f: {  	_ =	shalt  }
0x80: {  	_ =	shalt  }
0x81: {  	_ =	shalt  }
0x82: {  	_ =	shalt  }
0x83: {  	_ =	shalt  }
0x84: {  	_ =	shalt  }
0x85: {  	_ =	shalt  }
0x86: {  	_ =	shalt  }
0x87: {  	_ =	shalt  }
.Lfunc_end0:
.L_simem_size_0:
called_computation.1_lowered:
.L_overlay_start_0:
0x88: {  	s2 =	sld [smem:$0x3FD9]  }
0x89: {  	s3 =	sld [smem:$0x3FFE];
	_ =	sdelay $0x1  }
0x8a: {  	s1 =	srdreg.scid  }
0x8b: {  	s0 =	sand.u32 $0x1, s1  }
0x8c: {  	s18 =	sshll.u32 s0, $0xA;
	s2 =	sadd.s32 s3, s2  }
0x8d: {  	s2 =	sadd.s32 s2, s18  }
0x8e: {  	[smem:$0x3FC7] =	sst s2  }
0x8f: {  	_ = 	snop  }
0x90: {  	s2 =	sld [smem:$0x3FC9]  }
0x91: {  	s19 =	sld [smem:$0x3FD0];
	(tm) =	ssettm $0x1  }
0x92: {  	s4 =	sld [smem:$0x3FFB];
	_ =	sdelay $0x3  }
0x93: {  	_ =	strace s4  }
0x94: {  	s4 =	sld [smem:$0x3FFC];
	_ =	sdelay $0x3  }
0x95: {  	_ =	strace s4  }
0x96: {  	s4 =	sld [smem:$0x3FFD];
	_ =	sdelay $0x3  }
0x97: {  	_ =	strace s4  }
0x98: {  	_ =	strace $0x8FFFFFFF  }
0x99: {  	s20 =	sld [smem:$0x3FDB];
	_ =	sdelay $0x1  }
0x9a: {  	s5 =	simm.s32 $_scs_section_size  }
0x9b: {  	s6 =	simm.s32 $_size__tile_overlayer_lowered;
	s7 =	simm.s32 $_tile_overlayer_lowered  }
0x9c: {  	s23 =	simm.s32 $0x1BFF;
	s22 =	sshll.u32 s7, $0x1;
	s4 =	sadd.s32 s5, s20  }
0x9d: {  	s8 =	simm.s32 $0x0;
	s21 =	sshll.u32 s6, $0x1;
	s6 =	sadd.s32 s22, s4  }
0x9e: {  	[timem:s8], [sflag:s23] =	dma.local [hbm:s6], s21  }
0x9f: {  	_ =	swait.ge [sflag:s23], s21  }
0xa0: {  	s5 =	ssub.s32 $0x0, s21;
	[sflag:s23] =	ssyncset.done $0x0  }
0xa1: {  	[sflag:s23] =	ssyncadd.s32 s5;
	_ =	sdelay $0x1  }
0xa2: {  	s24 =	simm.s32 $0x1B8B  }
0xa3: {  	_ =	swait.ge [sflag:s24], $0x1  }
0xa4: {  	[sflag:s24] =	ssyncset.done $0x0  }
0xa5: {  	s25 =	simm.s32 $0x1B8E;
	[sflag:s24] =	ssyncadd.s32 $0xFFFFFFFF  }
0xa6: {  	s26 =	simm.s32 $execute0_lowered;
	[smem:$0x3FD2] =	sst s25  }
0xa7: {  	s5 =	sshll.u32 s26, $0x1;
	_ =	strace $0x80000046;
	[dreg:$0x1] =	wrdreg $0xFFFFFFFF  }
0xa8: {  	s28 =	simm.s32 $_size_execute0_lowered;
	s4 =	sadd.s32 s4, s5;
	[dreg:$0x0] =	wrdreg $0x0  }
0xa9: {  	s5 =	sshll.u32 s28, $0x1;
	[dreg:$0x2] =	wrdreg s4  }
0xaa: {  	[dreg:$0x3] =	wrdreg s5  }
0xab: {  	[dreg:$0x4] =	wrdreg $0xC0  }
0xac: {  	_ =	task [dreg:s8], $0x5FFFF  }
0xad: {  	[dreg:$0x1] =	wrdreg $0xFFFFFFFF  }
0xae: {  	[dreg:$0x0] =	wrdreg $0x60  }
0xaf: {  	[dreg:$0x2] =	wrdreg s2  }
0xb0: {  	[dreg:$0x3] =	wrdreg s19  }
0xb1: {  	[dreg:$0x4] =	wrdreg $0x9  }
0xb2: {  	_ =	task.clear_ibuf [dreg:s8], $0x5FFFF;
	_ =	strace $0x90000046  }
0xb3: {  	s29 =	simm.s32 $0x9;
	_ =	strace $0x80000048  }
0xb4: {  	_ =	swait.ge [sflag:s29], $0x1  }
0xb5: {  	[sflag:s29] =	ssyncadd.s32 $0xFFFFFFFF  }
0xb6: {  	_ =	strace $0x90000048  }
0xb7: {  	_ =	sfence  }
0xb8: {  	s30 =	sld [smem:$0x0];
	_ =	sdelay $0x2  }
0xb9: {  	s31 =	sshll.u32 s1, $0xD;
	s1 =	sshrl.u32 s1, $0x2  }
0xba: {  	s3 =	sand.u32 $0x4000, s31;
	s1 =	sadd.s32 s1, s30  }
0xbb: {  	s0 =	sor.u32 s3, s0;
	s1 =	sshll.u32 s1, $0x11  }
0xbc: {  	s0 =	sor.u32 s1, s0  }
0xbd: {  	s0 =	sadd.s32 $0x8F2B, s0  }
0xbe: {  	[sflag:s0] =	ssyncadd.remote.s32 $0x1  }
0xbf: {  	_ =	sfence.sel $0xFFFF  }
0xc0: {  	[dreg:$0x0] =	wrdreg $0xFFFFFFFF;
	(pc) =	sbr.abs _section_cstart, $3  }
0xc1: {  	[dreg:$0x1] =	wrdreg $0xFFFFFFFF  }
0xc2: {  	_ =	task.clear_ibuf [dreg:s8], $0x2FFFF;
	_ =	strace $0x9FFFFFFF  }
0xc3: {  	(tm) =	ssettm $0x7FFFFFFF  }
tec
execute0_lowered:
.L_overlay_start_1:
0x0: {  	(tag) =	ssettag $0x1  }
0x1: {  	s1 =	srdreg.scid;
	s3 =	rddreg [dreg:$0x0]  }
0x2: {  	s0 =	stileid.u32;
	s5 =	rddreg [dreg:$0x1]  }
0x3: {  	s2 =	simm.s32 $0x0;
	s11 =	simm.s32 $0x1;
	s12 =	simm.s32 $0x2  }
0x4: {  	s13 =	simm.s32 $0x0;
	s4 =	sand.u32 $0x1, s1;
	s1 =	rddreg [dreg:$0x2]  }
0x5: {  	s7 =	sshll.u32 s0, $0x9;
	[smem:$0x7FF] =	sst s2;
	s30 =	smul.u32 $0xFA00, s0  }
0x6: {  	s6 =	sshll.u32 s4, $0xD;
	s28 =	ssub.s32 $0x2, s4;
	_ =	strace $0x80000047  }
0x7: {  	s10 =	smul.u32 $0xFA000, s4;
	s6 =	sor.u32 s7, s6;
	s9 =	sshrl.u32 s28, $0x1  }
0x8: {  	v0 =	vlaneseq.u32;
	s8 =	smul.u32 $0x7D, s6;
	s7 =	ssub.s32 s28, s9;
	s29 =	sshrl.u32 s6, $0x3  }
0x9: {  	v0 =	vmul.u32 $0x3E8, v0;
	s31 =	sadd.s32 s10, s5;
	s9 =	simm.s32 $0x3;
	s10 =	simm.s32 $0x7D00  }
0xa: {  	v1 =	vimm.f32 $1.001001000e-04;
	s3 =	sadd.s32 s3, s29;
	s4 =	sadd.s32 s5, s8;
	s5 =	smax.u32 s7, $0x1  }
0xb: {  	v2 =	vimm.f32 $9.001001110e-01;
	v3 =	vadd.s32 $0x3E80, v0;
	s7 =	sadd.s32 s30, s31;
	s8 =	simm.s32 $0xFA00;
	s6 =	sadd.s32 $0xFA0, s4  }
.LBB2_1:
0xc: {  	[tilespmem:s8], [sflag:$0x3] =	stream.linear.gather [hbm4b:s3+s2], $0x200, $0x38;
	[tilespmem:$0xFC00] =	vst v63  }
0xd: {  	_ =	swait.ge [sflag:s9], $0x200  }
0xe: {  	[sflag:s9] =	ssyncset.done $0x0  }
0xf: {  	s14 =	simm.s32 $0x0;
	s15 =	simm.s32 $0x100;
	[sflag:s9] =	ssyncadd.s32 $0xFFFFFE00  }
.LBB2_2:
0x10: {  	p0 =	sne.s32 s15, $0x1F300;
	[tilespmem:s14+$0x7D30] =	vst v1  }
0x11: {  	[tilespmem:s14+$0x0] =	vst v1  }
0x12: {  	[tilespmem:s14+$0x10] =	vst v1  }
.Ltmp0:
0x13: {  	[tilespmem:s14+$0x20] =	vst v1;
	(pc) =	sbr.rel @p0 .LBB2_2-.Ltmp0, $4  }
0x14: {  	[tilespmem:s14+$0x30] =	vst v1  }
0x15: {  	[tilespmem:s14+$0x7D00] =	vst v1  }
0x16: {  	[tilespmem:s14+$0x7D10] =	vst v1  }
0x17: {  	[tilespmem:s14+$0x7D20] =	vst v1;
	s14 =	sshra.s32 s15, $0x2;
	s15 =	sadd.s32 $0x100, s15  }
0x18: {  	[tilespmem:s14+$0x7D30] =	vst v1  }
0x19: {  	[tilespmem:s14+$0x0] =	vst v1  }
0x1a: {  	[tilespmem:s14+$0x10] =	vst v1  }
0x1b: {  	[tilespmem:s14+$0x20] =	vst v1  }
0x1c: {  	[tilespmem:s14+$0x30] =	vst v1  }
0x1d: {  	[tilespmem:s14+$0x7D00] =	vst v1  }
0x1e: {  	[tilespmem:s14+$0x7D10] =	vst v1  }
0x1f: {  	[tilespmem:s14+$0x7D20] =	vst v1  }
0x20: {  	v4 =	vld [tilespmem:$0xFA00];
	_ =	sdelay $0x4  }
0x21: {  	v4 =	vadd.s32 v0, v4;
	_ =	sdelay $0x4  }
0x22: {  	[tilespmem:v4+s2+$0x0] =	vst.idx.msk $0xffff, v2  }
0x23: {  	v4 =	vld [tilespmem:$0xFA10];
	_ =	sdelay $0x4  }
0x24: {  	v4 =	vadd.s32 v3, v4;
	_ =	sdelay $0x4  }
0x25: {  	[tilespmem:v4+s2+$0x0] =	vst.idx.msk $0xffff, v2  }
0x26: {  	[hbm4b:s4+s2] =	stream.linear.scatter [tilespmem:s2], [sflag:$0x1], $0x7D00, $0x38;
	[tilespmem:$0xFC00] =	vst v63  }
0x27: {  	v4 =	vld [tilespmem:$0xFA20];
	_ =	sdelay $0x4  }
0x28: {  	v4 =	vadd.s32 v0, v4;
	_ =	sdelay $0x4  }
0x29: {  	[tilespmem:v4+s10+$0x0] =	vst.idx.msk $0xffff, v2  }
0x2a: {  	v4 =	vld [tilespmem:$0xFA30];
	_ =	sdelay $0x4  }
0x2b: {  	v4 =	vadd.s32 v3, v4;
	_ =	sdelay $0x4  }
0x2c: {  	s14 =	simm.s32 $0xFFFF2540;
	s15 =	simm.s32 $0xFA40;
	[tilespmem:v4+s10+$0x0] =	vst.idx.msk $0xffff, v2  }
0x2d: {  	[hbm4b:s6+s2] =	stream.linear.scatter [tilespmem:s10], [sflag:$0x2], $0x7D00, $0x38;
	[tilespmem:$0xFC00] =	vst v63  }
.LBB2_4:
0x2e: {  	_ =	swait.ge [sflag:s11], $0x7D00  }
0x2f: {  	[sflag:s11] =	ssyncset.done $0x0  }
0x30: {  	[sflag:s11] =	ssyncadd.s32 $0xFFFF8300  }
0x31: {  	v4 =	vld [tilespmem:s15+$0xFFFFFFC0];
	_ =	sdelay $0x4  }
0x32: {  	v4 =	vadd.s32 v0, v4;
	_ =	sdelay $0x4  }
0x33: {  	[tilespmem:v4+s2+$0x0] =	vst.idx.msk $0xffff, v1  }
0x34: {  	v4 =	vld [tilespmem:s15+$0xFFFFFFD0];
	_ =	sdelay $0x4  }
0x35: {  	v4 =	vadd.s32 v3, v4;
	_ =	sdelay $0x4  }
0x36: {  	[tilespmem:v4+s2+$0x0] =	vst.idx.msk $0xffff, v1  }
0x37: {  	v4 =	vld [tilespmem:s15+$0x0];
	_ =	sdelay $0x4  }
0x38: {  	v4 =	vadd.s32 v0, v4;
	_ =	sdelay $0x4  }
0x39: {  	[tilespmem:v4+s2+$0x0] =	vst.idx.msk $0xffff, v2  }
0x3a: {  	v4 =	vld [tilespmem:s15+$0x10];
	_ =	sdelay $0x4  }
0x3b: {  	v4 =	vadd.s32 v3, v4;
	_ =	sdelay $0x3  }
0x3c: {  	s16 =	sadd.s32 s14, s7  }
0x3d: {  	s17 =	sadd.s32 $0xFA00, s16;
	[tilespmem:v4+s2+$0x0] =	vst.idx.msk $0xffff, v2  }
0x3e: {  	[hbm4b:s17+s2] =	stream.linear.scatter [tilespmem:s2], [sflag:$0x1], $0x7D00, $0x38;
	[tilespmem:$0xFC00] =	vst v63  }
0x3f: {  	_ =	swait.ge [sflag:s12], $0x7D00  }
0x40: {  	[sflag:s12] =	ssyncset.done $0x0  }
0x41: {  	[sflag:s12] =	ssyncadd.s32 $0xFFFF8300  }
0x42: {  	v4 =	vld [tilespmem:s15+$0xFFFFFFE0];
	_ =	sdelay $0x4  }
0x43: {  	v4 =	vadd.s32 v0, v4;
	_ =	sdelay $0x4  }
0x44: {  	[tilespmem:v4+s10+$0x0] =	vst.idx.msk $0xffff, v1  }
0x45: {  	v4 =	vld [tilespmem:s15+$0xFFFFFFF0];
	_ =	sdelay $0x4  }
0x46: {  	v4 =	vadd.s32 v3, v4;
	_ =	sdelay $0x4  }
0x47: {  	[tilespmem:v4+s10+$0x0] =	vst.idx.msk $0xffff, v1  }
0x48: {  	v4 =	vld [tilespmem:s15+$0x20];
	_ =	sdelay $0x4  }
0x49: {  	v4 =	vadd.s32 v0, v4;
	_ =	sdelay $0x4  }
0x4a: {  	[tilespmem:v4+s10+$0x0] =	vst.idx.msk $0xffff, v2  }
0x4b: {  	v4 =	vld [tilespmem:s15+$0x30];
	_ =	sdelay $0x4  }
0x4c: {  	v4 =	vadd.s32 v3, v4  }
0x4d: {  	p0 =	sne.s32 s14, $0xFFFFE0C0  }
.Ltmp1:
0x4e: {  	_ = 	snop;
	(pc) =	sbr.rel @p0 .LBB2_4-.Ltmp1, $3  }
0x4f: {  	_ =	sdelay $0x1  }
0x50: {  	s14 =	sadd.s32 $0x1F40, s14;
	s16 =	sadd.s32 $0x109A0, s16;
	s15 =	sadd.s32 $0x40, s15;
	[tilespmem:v4+s10+$0x0] =	vst.idx.msk $0xffff, v2  }
0x51: {  	[hbm4b:s16+s2] =	stream.linear.scatter [tilespmem:s10], [sflag:$0x2], $0x7D00, $0x38;
	[tilespmem:$0xFC00] =	vst v63  }
0x52: {  	s13 =	sadd.s32 $0x1, s13  }
0x53: {  	_ =	swait.ge [sflag:s11], $0x7D00;
	p0 =	sne.s32 s13, s5  }
.Ltmp2:
0x54: {  	[sflag:s11] =	ssyncset.done $0x0;
	(pc) =	sbr.rel @p0 .LBB2_1-.Ltmp2, $4  }
0x55: {  	[sflag:s11] =	ssyncadd.s32 $0xFFFF8300  }
0x56: {  	_ =	swait.ge [sflag:s12], $0x7D00  }
0x57: {  	[sflag:s12] =	ssyncset.done $0x0  }
0x58: {  	[sflag:s12] =	ssyncadd.s32 $0xFFFF8300  }
0x59: {  	_ =	sfence.sel $0x180000  }
0x5a: {  	[bflag:$0x0] =	sbarrier.arrive $0xFFFF  }
0x5b: {  	p0 =	sne.s32 s0, $0x0;
	_ =	strace $0x90000047  }
0x5c: {  	s0 =	sadd.s32 @!p0 $0x100000, s1;
	[bflag:$0x2] =	sbarrier.arrive $0xFFFF  }
0x5d: {  	[sflag:s0] =	ssyncadd.tile.s32 @!p0 $0x1;
	_ =	shalt  }
.Lfunc_end2:
_tile_overlayer_lowered:
.L_overlay_start_2:
0x5e: {  	(tag) =	ssettag $0x2  }
0x5f: {  	s0 =	rddreg [dreg:$0x0];
	s2 =	stileid.u32  }
0x60: {  	s1 =	rddreg [dreg:$0x1];
	p0 =	sne.s32 s2, $0x0  }
0x61: {  	s3 =	rddreg [dreg:$0x2];
	[bflag:$0x3] =	sbarrier.arrive $0xFFFF;
	s2 =	simm.s32 @!p0 $0x1C03  }
0x62: {  	[timem:s3], [sflag:s2] =	dma.local @!p0 [hbm:s0], s1  }
0x63: {  	s0 =	simm.s32 @!p0 $0x3  }
0x64: {  	_ =	swait.ge @!p0 [sflag:s0], s1  }
0x65: {  	s1 =	ssub.s32 @!p0 $0x0, s1;
	[sflag:s0] =	ssyncset.done @!p0 $0x0  }
0x66: {  	[sflag:s0] =	ssyncadd.s32 @!p0 s1  }
0x67: {  	[bflag:$0x3] =	sbarrier.arrive $0xFFFF  }
0x68: {  	_ =	shalt  }

// kernel: sparse-core-data-format-call.cloned.1.call-start
scs
called_computation_lowered:
.L_overlay_start_0:
0x0: {  	s2 =	sld [smem:$0x3FD9]  }
0x1: {  	s3 =	sld [smem:$0x3FFE];
	_ =	sdelay $0x1  }
0x2: {  	s1 =	srdreg.scid  }
0x3: {  	s0 =	sand.u32 $0x1, s1  }
0x4: {  	s18 =	sshll.u32 s0, $0xA;
	s2 =	sadd.s32 s3, s2  }
0x5: {  	s2 =	sadd.s32 s2, s18  }
0x6: {  	[smem:$0x3FC7] =	sst s2  }
0x7: {  	_ = 	snop  }
0x8: {  	s2 =	sld [smem:$0x3FD0];
	(tm) =	ssettm $0x1  }
0x9: {  	s19 =	sld [smem:$0x3FFB];
	_ =	sdelay $0x3  }
0xa: {  	_ =	strace s19  }
0xb: {  	s3 =	sld [smem:$0x3FFC];
	_ =	sdelay $0x3  }
0xc: {  	_ =	strace s3  }
0xd: {  	s3 =	sld [smem:$0x3FFD];
	_ =	sdelay $0x3  }
0xe: {  	_ =	strace s3  }
0xf: {  	_ =	strace $0x8FFFFFFF  }
0x10: {  	s20 =	sld [smem:$0x3FDB];
	_ =	sdelay $0x1  }
0x11: {  	s4 =	simm.s32 $_scs_section_size  }
0x12: {  	s5 =	simm.s32 $_size__tile_overlayer_lowered;
	s6 =	simm.s32 $_tile_overlayer_lowered  }
0x13: {  	s23 =	simm.s32 $0x1BFF;
	s22 =	sshll.u32 s6, $0x1;
	s3 =	sadd.s32 s4, s20  }
0x14: {  	s7 =	simm.s32 $0x0;
	s21 =	sshll.u32 s5, $0x1;
	s5 =	sadd.s32 s22, s3  }
0x15: {  	[timem:s7], [sflag:s23] =	dma.local [hbm:s5], s21  }
0x16: {  	_ =	swait.ge [sflag:s23], s21  }
0x17: {  	s4 =	ssub.s32 $0x0, s21;
	[sflag:s23] =	ssyncset.done $0x0  }
0x18: {  	[sflag:s23] =	ssyncadd.s32 s4;
	_ =	sdelay $0x1  }
0x19: {  	s24 =	simm.s32 $0x1B8B  }
0x1a: {  	_ =	swait.ge [sflag:s24], $0x1  }
0x1b: {  	[sflag:s24] =	ssyncset.done $0x0  }
0x1c: {  	s26 =	simm.s32 $0x1B8E;
	s25 =	sld [smem:$0x3FFE];
	[sflag:s24] =	ssyncadd.s32 $0xFFFFFFFF  }
0x1d: {  	s27 =	simm.s32 $execute0_lowered;
	[smem:$0x3FD2] =	sst s26  }
0x1e: {  	s5 =	sshll.u32 s27, $0x1;
	_ =	strace $0x80000049;
	[dreg:$0x1] =	wrdreg $0xFFFFFFFF  }
0x1f: {  	s28 =	simm.s32 $_size_execute0_lowered;
	s3 =	sadd.s32 s3, s5;
	[dreg:$0x0] =	wrdreg $0x0  }
0x20: {  	s5 =	sshll.u32 s28, $0x1;
	[dreg:$0x2] =	wrdreg s3  }
0x21: {  	[dreg:$0x3] =	wrdreg s5  }
0x22: {  	[dreg:$0x4] =	wrdreg $0xC0  }
0x23: {  	_ =	task [dreg:s7], $0x5FFFF  }
0x24: {  	[dreg:$0x1] =	wrdreg $0xFFFFFFFF  }
0x25: {  	[dreg:$0x0] =	wrdreg $0x60  }
0x26: {  	[dreg:$0x2] =	wrdreg s25  }
0x27: {  	[dreg:$0x3] =	wrdreg s2  }
0x28: {  	[dreg:$0x4] =	wrdreg $0x9  }
0x29: {  	_ =	task.clear_ibuf [dreg:s7], $0x5FFFF;
	_ =	strace $0x90000049  }
0x2a: {  	s29 =	simm.s32 $0x9;
	_ =	strace $0x8000004B  }
0x2b: {  	_ =	swait.ge [sflag:s29], $0x1  }
0x2c: {  	[sflag:s29] =	ssyncadd.s32 $0xFFFFFFFF  }
0x2d: {  	_ =	strace $0x9000004B  }
0x2e: {  	_ =	sfence  }
0x2f: {  	s30 =	sld [smem:$0x0];
	_ =	sdelay $0x2  }
0x30: {  	s31 =	sshll.u32 s1, $0xD;
	s1 =	sshrl.u32 s1, $0x2  }
0x31: {  	s3 =	sand.u32 $0x4000, s31;
	s1 =	sadd.s32 s1, s30  }
0x32: {  	s0 =	sor.u32 s3, s0;
	s1 =	sshll.u32 s1, $0x11  }
0x33: {  	s0 =	sor.u32 s1, s0  }
0x34: {  	s0 =	sadd.s32 $0x8F2B, s0  }
0x35: {  	[sflag:s0] =	ssyncadd.remote.s32 $0x1  }
0x36: {  	_ =	sfence.sel $0xFFFF  }
0x37: {  	[dreg:$0x0] =	wrdreg $0xFFFFFFFF;
	(pc) =	sbr.abs _section_cstart, $3  }
0x38: {  	[dreg:$0x1] =	wrdreg $0xFFFFFFFF  }
0x39: {  	_ =	task.clear_ibuf [dreg:s7], $0x2FFFF;
	_ =	strace $0x9FFFFFFF  }
0x3a: {  	(tm) =	ssettm $0x7FFFFFFF  }
0x3b: {  	_ =	shalt  }
tec
execute0_lowered:
.L_overlay_start_1:
0x0: {  	(tag) =	ssettag $0x1  }
0x1: {  	s0 =	srdreg.scid;
	s5 =	rddreg [dreg:$0x0]  }
0x2: {  	s3 =	rddreg [dreg:$0x1];
	s1 =	sshll.u32 s0, $0x4  }
0x3: {  	s7 =	simm.s32 $0x1;
	s0 =	stileid.u32;
	s1 =	sand.u32 $0x10, s1  }
0x4: {  	s8 =	simm.s32 $0x2;
	s15 =	simm.s32 $0x0;
	s1 =	sor.u32 s0, s1  }
0x5: {  	s14 =	simm.s32 $0x0;
	s9 =	simm.s32 $0x0;
	s2 =	sshll.u32 s1, $0x7  }
0x6: {  	s10 =	simm.s32 $0x0;
	s11 =	simm.s32 $0x0;
	s6 =	ssub.s32 $0x4000, s2  }
0x7: {  	s13 =	simm.s32 $0x0;
	s5 =	sadd.s32 $0x800, s5;
	s4 =	sand.u32 $0xF80, s6  }
.Ltmp0:
0x8: {  	s1 =	rddreg [dreg:$0x2];
	p0 =	sne.s32 s4, $0x0;
	(pc) =	sbr.rel .LBB1_1-.Ltmp0, $4  }
0x9: {  	_ =	strace $0x8000004A;
	s6 =	sshrl.u32 s6, $0xC;
	s7 =	simm.s32 @!p0 $0x0  }
0xa: {  	s12 =	smov.u32 s2;
	s4 =	simm.s32 $0x1;
	s6 =	sadd.s32 s7, s6  }
0xb: {  	[sflag:s4] =	ssyncpa.u1 $0x0;
	p0 =	por $0x0, $0x0;
	s6 =	sshll.u32 s6, $0x3  }
0xc: {  	[sflag:s8] =	ssyncpa.u1 $0x0;
	s8 =	simm.s32 $0x20000;
	s7 =	sor.u32 $0x1, s6  }
.LBB1_4:
0xd: {  	s20 =	sshra.s32 s20, $0x2  }
0xe: {  	s28 =	sand.u32 $0x78, s10;
	s21 =	sshll.u32 s9, $0xE;
	s22 =	sshll.u32 s10, $0x3  }
0xf: {  	s24 =	sshll.u32 s9, $0x7;
	p1 =	sgt.s32 s9, $0x368;
	s30 =	sshra.s32 s9, $0x1F  }
0x10: {  	s26 =	sshra.s32 s10, $0x1F;
	s19 =	sadd.s32 s20, s19;
	s21 =	sand.u32 $0xFFFE0000, s21  }
0x11: {  	v5 =	vld [tilespmem:s17+$0xFFFFFFD0];
	[tilespmem:s18+$0x2040 ss:$0x81] =	vst.msk $0xffff, v4;
	s23 =	sand.u32 $0xFFFFFC00, s22;
	s29 =	sand.u32 $0x380, s24;
	s22 =	sand.u32 $0x3C00, s22  }
0x12: {  	v58 =	vld [tilespmem:s17+$0xFFFFFFE0];
	[tilespmem:s18+$0x2850 ss:$0x81] =	vst.msk $0xffff, v3;
	s21 =	sadd.s32 s23, s21;
	s20 =	sor.u32 s28, s22;
	s22 =	smov.u32 s9  }
0x13: {  	v59 =	vld [tilespmem:s17+$0xFFFFFFF0];
	[tilespmem:s18+$0x3060 ss:$0x81] =	vst.msk $0xffff, v2;
	s24 =	sand.u32 s30, s9;
	s21 =	sshrl.u32 s21, $0xE;
	s22 =	simm.s32 @!p1 $0x368  }
0x14: {  	v60 =	vld [tilespmem:s17+$0x0];
	[tilespmem:s18+$0x0 ss:$0x81] =	vst.msk $0xffff, v1;
	p1 =	sgt.s32 s10, $0x3F80;
	s31 =	ssub.s32 s22, s24;
	s22 =	smov.u32 s10  }
0x15: {  	v61 =	vld [tilespmem:s17+$0x10];
	[tilespmem:s19+$0x3870 ss:$0x81] =	vst.msk $0xffff, v0;
	s25 =	smulhi.u32 $0x418938, s21;
	s24 =	sand.u32 s26, s10;
	s22 =	simm.s32 @!p1 $0x3F80  }
0x16: {  	v62 =	vld [tilespmem:s17+$0x20];
	s20 =	sor.u32 s29, s20;
	[tilespmem:s19+$0x810 ss:$0x81] =	vst.msk $0xffff, v5;
	s27 =	sadd.s32 $0xFFFFFC98, s31;
	s22 =	ssub.s32 s22, s24  }
0x17: {  	v63 =	vld [tilespmem:s17+$0xFFFFFFC0];
	[tilespmem:s19+$0x1020 ss:$0x81] =	vst.msk $0xffff, v58;
	s18 =	ssub.s32 $0x3E8, s31;
	s28 =	smul.u32 $0x3E8, s25;
	s29 =	sadd.s32 $0xFFFFC080, s22  }
0x18: {  	[tilespmem:s19+$0x1830 ss:$0x81] =	vst.msk $0xffff, v59;
	p1 =	sgt.s32 s27, $0x7F;
	s22 =	ssub.s32 $0x4000, s22;
	p2 =	sgt.s32 s29, $0x7F  }
0x19: {  	s30 =	sand.u32 $0x7, s10;
	[tilespmem:s19+$0x2040 ss:$0x81] =	vst.msk $0xffff, v60;
	s18 =	simm.s32 @p1 $0x0;
	s22 =	simm.s32 @p2 $0x0  }
0x1a: {  	s20 =	sshrl.u32 s20, $0x3;
	[tilespmem:s19+$0x2850 ss:$0x81] =	vst.msk $0xffff, v61;
	s17 =	ssub.s32 s21, s28;
	s18 =	smul.u32 s22, s18  }
0x1b: {  	[tilespmem:s19+$0x3060 ss:$0x81] =	vst.msk $0xffff, v62;
	s20 =	sadd.s32 s3, s20;
	s21 =	sshll.u32 s30, $0x12;
	s17 =	sshll.u32 s17, $0xB  }
0x1c: {  	[tilespmem:s19+$0x0 ss:$0x81] =	vst.msk $0xffff, v63;
	s31 =	sor.u32 $0x400, s21;
	s17 =	sadd.s32 s17, s20;
	s18 =	sand.u32 $0x3FFFFFFF, s18  }
0x1d: {  	[hbm4b:s17+s31] =	stream.strided.scatter [tilespmem:s16], [sflag:$0x2], s18, s8, s31, $0x20;
	[tilespmem:$0x10100] =	vst v63  }
.LBB1_5:
0x1e: {  	p1 =	slt.u32 s13, $0x2  }
0x1f: {  	s17 =	smov.u32 s15;
	p2 =	sgt.s32 @!p1 s15, $0x368;
	s16 =	sshra.s32 @!p1 s15, $0x1F  }
0x20: {  	p3 =	sgt.s32 @!p1 s14, $0x3F80;
	s18 =	sshra.s32 @!p1 s14, $0x1F;
	p2 =	por !p2, p1  }
0x21: {  	s15 =	sand.u32 @!p1 s16, s15;
	p3 =	por !p3, p1;
	s16 =	smov.u32 s14  }
0x22: {  	s14 =	sand.u32 @!p1 s18, s14;
	s17 =	simm.s32 @p2 $0x368;
	s16 =	simm.s32 @p3 $0x3F80  }
0x23: {  	s15 =	ssub.s32 @!p1 s17, s15;
	s14 =	ssub.s32 @!p1 s16, s14  }
0x24: {  	s18 =	smov.u32 s12;
	s16 =	sadd.s32 @!p1 $0xFFFFFC98, s15;
	s17 =	sadd.s32 @!p1 $0xFFFFC080, s14  }
0x25: {  	s15 =	ssub.s32 @!p1 $0x3E8, s15;
	p2 =	sgt.s32 @!p1 s16, $0x7F;
	p3 =	sgt.s32 @!p1 s17, $0x7F  }
0x26: {  	s14 =	ssub.s32 @!p1 $0x4000, s14;
	p2 =	por !p2, p1;
	p3 =	por !p3, p1  }
0x27: {  	s16 =	sadd.s32 $0x80, s11;
	s15 =	simm.s32 @!p2 $0x0;
	s14 =	simm.s32 @!p3 $0x0  }
0x28: {  	p2 =	sgt.s32 s16, $0x3E7;
	s14 =	smul.u32 @!p1 s14, s15;
	s15 =	sadd.s32 $0x1000, s12  }
0x29: {  	s18 =	smov.u32 @p2 s15  }
0x2a: {  	s16 =	simm.s32 @p2 $0x0;
	p2 =	sgt.s32 s18, $0x3FFF  }
0x2b: {  	s18 =	smov.u32 @p2 s2;
	p2 =	sne.s32 s13, s7  }
.Ltmp1:
0x2c: {  	p0 =	por !p0, !p0;
	s17 =	simm.s32 @!p1 $0x2;
	(pc) =	sbr.rel @!p2 .LBB1_6-.Ltmp1, $4  }
0x2d: {  	s15 =	smov.u32 s9;
	s9 =	smov.u32 s11;
	s14 =	sand.u32 @!p1 $0x3FFFFFFF, s14  }
0x2e: {  	s11 =	smov.u32 s16;
	_ =	swait.ge @!p1 [sflag:s17], s14;
	s19 =	ssub.s32 @!p1 $0x0, s14  }
0x2f: {  	s14 =	smov.u32 s10;
	s13 =	sadd.s32 $0x1, s13;
	[sflag:s17] =	ssyncset.done @!p1 $0x0  }
0x30: {  	s10 =	smov.u32 s12;
	s12 =	smov.u32 s18;
	[sflag:s17] =	ssyncadd.s32 @!p1 s19  }
.LBB1_1:
0x31: {  	p1 =	sge.u32 s13, s6  }
0x32: {  	s31 =	sadd.s32 $0xFFFFFFFF, s13;
	s16 =	sshll.u32 @!p1 s12, $0xA  }
0x33: {  	s17 =	sshll.u32 @!p1 s11, $0x3;
	s18 =	sshll.u32 @!p1 s12, $0x7;
	s16 =	sand.u32 @!p1 $0xFFE000, s16  }
0x34: {  	s19 =	sand.u32 @!p1 $0x78, s11;
	s16 =	sadd.s32 @!p1 s16, s17;
	s17 =	sand.u32 @!p1 $0x380, s18  }
0x35: {  	s18 =	sxor.u32 @!p1 $0xFFFFFFFF, s13;
	s16 =	sand.u32 @!p1 $0xFFFC00, s16;
	s17 =	sor.u32 @!p1 s17, s19  }
0x36: {  	s18 =	sshll.u32 @!p1 s18, $0xE;
	s16 =	sor.u32 @!p1 s16, s17;
	s17 =	sand.u32 @!p1 $0x7, s11  }
0x37: {  	s19 =	simm.s32 @!p1 $0x2000;
	s16 =	sshrl.u32 @!p1 s16, $0x3;
	s17 =	sshll.u32 @!p1 s17, $0x12  }
0x38: {  	s18 =	sand.u32 @!p1 $0x4000, s18;
	s16 =	sadd.s32 @!p1 s5, s16;
	s17 =	sor.u32 @!p1 $0x400, s17  }
0x39: {  	[tilespmem:s18], [sflag:$0x1] =	stream.strided.gather @!p1 [hbm4b:s16+s17], $0x4000, s19, s17, $0x38;
	[tilespmem:$0x10100] =	vst v63  }
0x3a: {  	p1 =	sge.u32 s31, s6  }
.Ltmp2:
0x3b: {  	_ = 	snop;
	(pc) =	sbr.rel @p1 .LBB1_5-.Ltmp2, $1  }
0x3c: {  	_ =	sdelay $0x3  }
0x3d: {  	s16 =	simm.s32 $0x1  }
0x3e: {  	_ =	swait.ge [sflag:s4], $0x4000;
	s16 =	simm.s32 @!p0 $0x0  }
0x3f: {  	[sflag:s4] =	ssyncset.done $0x0;
	s17 =	sshll.u32 s16, $0xE  }
0x40: {  	[sflag:s4] =	ssyncadd.s32 $0xFFFFC000;
	s17 =	sor.u32 $0x40, s17  }
0x41: {  	s16 =	smul.u32 $0x10200, s16;
	v0 =	vld [tilespmem:s17+$0x30]  }
0x42: {  	v1 =	vld [tilespmem:s17+$0xFFFFFFD0]  }
0x43: {  	s16 =	sshrl.u32 s16, $0x2;
	v5 =	vld [tilespmem:s17+$0xFFFFFFE0]  }
0x44: {  	v6 =	vld [tilespmem:s17+$0xFFFFFFF0];
	s19 =	sor.u32 $0x8000, s16  }
0x45: {  	s31 =	sand.u32 $0x1, s13;
	v4 =	vld [tilespmem:s17+$0x0];
	s18 =	sadd.s32 $0x0, s19  }
0x46: {  	v3 =	vld [tilespmem:s17+$0x10];
	s16 =	smul.u32 $0x10200, s31;
	[tilespmem:s18+$0x3870 ss:$0x81] =	vst.msk $0xffff, v0  }
0x47: {  	v2 =	vld [tilespmem:s17+$0x20];
	[tilespmem:s18+$0x810 ss:$0x81] =	vst.msk $0xffff, v1  }
0x48: {  	s16 =	sshrl.u32 s16, $0x2;
	v1 =	vld [tilespmem:s17+$0xFFFFFFC0];
	[tilespmem:s18+$0x1020 ss:$0x81] =	vst.msk $0xffff, v5;
	s17 =	sadd.s32 $0x80, s17  }
0x49: {  	s20 =	simm.s32 $0x4;
	s21 =	simm.s32 $0x8;
	s16 =	sor.u32 $0x8000, s16;
	[tilespmem:s18+$0x1830 ss:$0x81] =	vst.msk $0xffff, v6;
	v0 =	vld [tilespmem:s17+$0x30]  }
.LBB1_3:
0x4a: {  	p1 =	sne.s32 s21, $0x1FC;
	v5 =	vld [tilespmem:s17+$0xFFFFFFD0];
	[tilespmem:s18+$0x2040 ss:$0x81] =	vst.msk $0xffff, v4  }
0x4b: {  	v6 =	vld [tilespmem:s17+$0xFFFFFFE0];
	[tilespmem:s18+$0x2850 ss:$0x81] =	vst.msk $0xffff, v3  }
0x4c: {  	s22 =	sshra.s32 s20, $0x2;
	s20 =	smov.u32 s21;
	v7 =	vld [tilespmem:s17+$0xFFFFFFF0];
	[tilespmem:s18+$0x3060 ss:$0x81] =	vst.msk $0xffff, v2  }
.Ltmp3:
0x4d: {  	v4 =	vld [tilespmem:s17+$0x0];
	[tilespmem:s18+$0x0 ss:$0x81] =	vst.msk $0xffff, v1;
	s18 =	sadd.s32 s22, s19;
	(pc) =	sbr.rel @p1 .LBB1_3-.Ltmp3, $4  }
0x4e: {  	v3 =	vld [tilespmem:s17+$0x10];
	[tilespmem:s18+$0x3870 ss:$0x81] =	vst.msk $0xffff, v0  }
0x4f: {  	[tilespmem:s18+$0x810 ss:$0x81] =	vst.msk $0xffff, v5;
	v2 =	vld [tilespmem:s17+$0x20]  }
0x50: {  	v1 =	vld [tilespmem:s17+$0xFFFFFFC0];
	[tilespmem:s18+$0x1020 ss:$0x81] =	vst.msk $0xffff, v6;
	s17 =	sadd.s32 $0x80, s17  }
0x51: {  	s21 =	sadd.s32 $0x4, s21;
	v0 =	vld [tilespmem:s17+$0x30];
	[tilespmem:s18+$0x1830 ss:$0x81] =	vst.msk $0xffff, v7  }
.Ltmp4:
0x52: {  	_ = 	snop;
	(pc) =	sbr.rel .LBB1_4-.Ltmp4, $1  }
0x53: {  	_ =	sdelay $0x3  }
.LBB1_6:
0x54: {  	_ =	sfence.sel $0x180000  }
0x55: {  	s2 =	simm.s32 $0x1;
	[bflag:$0x0] =	sbarrier.arrive $0xFFFF  }
0x56: {  	s31 =	simm.s32 $0x2;
	[sflag:s2] =	ssyncpa.u1 $0x1  }
0x57: {  	[sflag:s31] =	ssyncpa.u1 $0x1  }
0x58: {  	p0 =	sne.s32 s0, $0x0;
	_ =	strace $0x9000004A  }
0x59: {  	s0 =	sadd.s32 @!p0 $0x100000, s1;
	[bflag:$0x2] =	sbarrier.arrive $0xFFFF  }
0x5a: {  	[sflag:s0] =	ssyncadd.tile.s32 @!p0 $0x1;
	_ =	shalt  }
.Lfunc_end1:
_tile_overlayer_lowered:
.L_overlay_start_2:
0x5b: {  	(tag) =	ssettag $0x2  }
0x5c: {  	s0 =	rddreg [dreg:$0x0];
	s2 =	stileid.u32  }
0x5d: {  	s1 =	rddreg [dreg:$0x1];
	p0 =	sne.s32 s2, $0x0  }
0x5e: {  	s3 =	rddreg [dreg:$0x2];
	[bflag:$0x3] =	sbarrier.arrive $0xFFFF;
	s2 =	simm.s32 @!p0 $0x1C01  }
0x5f: {  	[timem:s3], [sflag:s2] =	dma.local @!p0 [hbm:s0], s1  }
0x60: {  	s0 =	simm.s32 @!p0 $0x1  }
0x61: {  	_ =	swait.ge @!p0 [sflag:s0], s1  }
0x62: {  	s1 =	ssub.s32 @!p0 $0x0, s1;
	[sflag:s0] =	ssyncset.done @!p0 $0x0  }
0x63: {  	[sflag:s0] =	ssyncadd.s32 @!p0 s1  }
0x64: {  	[bflag:$0x3] =	sbarrier.arrive $0xFFFF  }
0x65: {  	_ =	shalt  }

</sc_bundles>
